<compile_context>
chip_gen: v7x
topology: tpu7x:2x2x1
jax: 0.10.2.dev20260603
libtpu: 0.0.44.dev20260713+nightly
codegen_flags: <defaults>
</compile_context>

<pallas_src>
import functools

import jax
import jax.numpy as jnp
from jax import lax
from jax.experimental import pallas as pl
from jax.experimental.pallas import tpu as pltpu
from jax.experimental.pallas import tpu_sc as plsc

BATCH = 16384
EMBED_DIM = 32
ROW = 4 * EMBED_DIM
NUM_TABLE_ROWS = 100000
NUM_CORES = 2
NUM_SUBCORES = 16
NUM_WORKERS = NUM_CORES * NUM_SUBCORES
ROWS_PER_WORKER = BATCH // NUM_WORKERS


def _pack_body(ug_r, um_r, ig_r, im_r, out_r):
    dn = (((0,), (0,)), ((), ()))
    f32, bf16 = jnp.float32, jnp.bfloat16

    def tr(x, t):
        eye = jnp.eye(EMBED_DIM, ROW, EMBED_DIM * t, dtype=bf16)
        return jax.lax.dot_general(x, eye, dimension_numbers=dn,
                                   preferred_element_type=f32)

    def tr_hilo(x_r, t):
        x = x_r[...]
        hi = x.astype(bf16)
        lo = (x - hi.astype(f32)).astype(bf16)
        return tr(hi, t) + tr(lo, t)

    out_r[...] = ((tr_hilo(ug_r, 0) + tr(um_r[...].astype(bf16), 1))
                  + (tr_hilo(ig_r, 2) + tr(im_r[...].astype(bf16), 3)))


def _tc_pack(ug, um, ig, im, block_rows=4096):
    n_blocks = (NUM_TABLE_ROWS + block_rows - 1) // block_rows
    in_spec = pl.BlockSpec((EMBED_DIM, block_rows), lambda i: (0, i))
    return pl.pallas_call(
        _pack_body,
        grid=(n_blocks,),
        in_specs=[in_spec, in_spec, in_spec, in_spec],
        out_specs=pl.BlockSpec((block_rows, ROW), lambda i: (i, 0)),
        out_shape=jax.ShapeDtypeStruct((NUM_TABLE_ROWS, ROW), jnp.float32),
        compiler_params=pltpu.CompilerParams(
            dimension_semantics=("parallel",)),
    )(ug.T, um.T, ig.T, im.T)


def _sc_gather2(uidx, iidx, table):
    mesh = plsc.VectorSubcoreMesh(core_axis_name="c", subcore_axis_name="s")
    row_ty = jax.ShapeDtypeStruct((BATCH, ROW), jnp.float32)

    HALF = ROWS_PER_WORKER // 2

    @functools.partial(
        pl.kernel,
        out_type=(row_ty, row_ty),
        mesh=mesh,
        scratch_types=[
            pltpu.VMEM((ROWS_PER_WORKER,), jnp.int32),
            pltpu.VMEM((ROWS_PER_WORKER,), jnp.int32),
            pltpu.VMEM((HALF, ROW), jnp.float32),
            pltpu.VMEM((HALF, ROW), jnp.float32),
            pltpu.SemaphoreType.DMA,
            pltpu.SemaphoreType.DMA,
        ],
    )
    def k(uidx_hbm, iidx_hbm, tab_hbm, our, oir, uix_v, iix_v, bu, bi, su, si):
        wid = lax.axis_index("s") * NUM_CORES + lax.axis_index("c")
        base = wid * ROWS_PER_WORKER
        sl = pl.ds(base, ROWS_PER_WORKER)
        pltpu.sync_copy(uidx_hbm.at[sl], uix_v)
        pltpu.sync_copy(iidx_hbm.at[sl], iix_v)
        cu = pltpu.async_copy(tab_hbm.at[uix_v.at[pl.ds(0, HALF)]], bu, su)
        ci = pltpu.async_copy(tab_hbm.at[iix_v.at[pl.ds(0, HALF)]], bi, si)
        cu.wait()
        pltpu.sync_copy(bu, our.at[pl.ds(base, HALF)])
        cu2 = pltpu.async_copy(tab_hbm.at[uix_v.at[pl.ds(HALF, HALF)]], bu, su)
        ci.wait()
        pltpu.sync_copy(bi, oir.at[pl.ds(base, HALF)])
        ci2 = pltpu.async_copy(tab_hbm.at[iix_v.at[pl.ds(HALF, HALF)]], bi, si)
        cu2.wait()
        pltpu.sync_copy(bu, our.at[pl.ds(base + HALF, HALF)])
        ci2.wait()
        pltpu.sync_copy(bi, oir.at[pl.ds(base + HALF, HALF)])

    return k(uidx, iidx, table)


def _mlp_body(ur, ir, w0, b0, w1, b1, w2, b2, w3, b3, wo, bo, out_r):
    f32 = jnp.float32
    bf16 = jnp.bfloat16
    u = ur[...]
    i = ir[...]
    um = u[:, EMBED_DIM:2 * EMBED_DIM].astype(bf16)
    im = i[:, 3 * EMBED_DIM:4 * EMBED_DIM].astype(bf16)
    w0b = w0[...].astype(bf16)
    h = (jnp.dot(um, w0b[0:EMBED_DIM, :], preferred_element_type=f32)
         + jnp.dot(im, w0b[EMBED_DIM:2 * EMBED_DIM, :], preferred_element_type=f32))
    h = jnp.maximum(h + b0[...], 0.0).astype(bf16)
    h = jnp.maximum(jnp.dot(h, w1[...].astype(bf16), preferred_element_type=f32)
                    + b1[...], 0.0).astype(bf16)
    h = jnp.maximum(jnp.dot(h, w2[...].astype(bf16), preferred_element_type=f32)
                    + b2[...], 0.0).astype(bf16)
    h = jnp.maximum(jnp.dot(h, w3[...].astype(bf16), preferred_element_type=f32)
                    + b3[...], 0.0)
    g = u[:, 0:EMBED_DIM] * i[:, 2 * EMBED_DIM:3 * EMBED_DIM]
    pred = (jnp.sum(g * wo[0:1, 0:EMBED_DIM], axis=1)
            + jnp.sum(h * wo[0:1, EMBED_DIM:EMBED_DIM + 8], axis=1)
            + bo[0, 0])
    out_r[...] = pred


def _tc_mlp(urows, irows, W0, b0, W1, b1, W2, b2, W3, b3, Wo, bo,
            block_batch=2048):
    n_blocks = BATCH // block_batch
    row_spec = pl.BlockSpec((block_batch, ROW), lambda i: (i, 0))

    def full2d(a):
        return pl.BlockSpec(a.shape, lambda i: (0, 0))

    b0r, b1r, b2r, b3r = (b.reshape(1, -1) for b in (b0, b1, b2, b3))
    bor = bo.reshape(1, 1)
    wor = Wo.reshape(1, -1)
    out = pl.pallas_call(
        _mlp_body,
        grid=(n_blocks,),
        in_specs=[row_spec, row_spec,
                  full2d(W0), full2d(b0r), full2d(W1), full2d(b1r),
                  full2d(W2), full2d(b2r), full2d(W3), full2d(b3r),
                  full2d(wor), full2d(bor)],
        out_specs=pl.BlockSpec((block_batch,), lambda i: (i,)),
        out_shape=jax.ShapeDtypeStruct((BATCH,), jnp.float32),
        compiler_params=pltpu.CompilerParams(
            dimension_semantics=("parallel",)),
    )(urows, irows,
      W0, b0r, W1, b1r, W2, b2r, W3, b3r, wor, bor)
    return out


def kernel(user_indices, item_indices, ug, ig, um, im,
           W0, b0, W1, b1, W2, b2, W3, b3, Wo, bo):
    uidx = user_indices.astype(jnp.int32)
    iidx = item_indices.astype(jnp.int32)
    table = _tc_pack(ug, um, ig, im)
    urows, irows = _sc_gather2(uidx, iidx, table)
    return _tc_mlp(urows, irows, W0, b0, W1, b1, W2, b2, W3, b3, Wo, bo)

# --- scband reference (transcript-rebuilt; emitter-appended) ---
"""Pipeline reference for scband-neural-collaborative-filtering-81939386073370 (READ-ONLY COPY).

The authoritative reference and input builder live on the scoring server;
editing this copy changes nothing except your own understanding.
"""

import jax, jax.numpy as jnp
import numpy as np

NUM_USERS = 100000
NUM_ITEMS = 100000
EMBED_DIM = 32
BATCH = 16384
LAYERS = [64, 32, 16, 8]


def setup_inputs(seed: int = 0) -> dict:
    key = jax.random.key(seed)
    ks = jax.random.split(key, 20)
    user_indices = jax.random.randint(ks[0], (BATCH,), 0, NUM_USERS, dtype=jnp.int64 if jax.config.jax_enable_x64 else jnp.int32)
    item_indices = jax.random.randint(ks[1], (BATCH,), 0, NUM_ITEMS, dtype=jnp.int64 if jax.config.jax_enable_x64 else jnp.int32)
    inp = {
        "user_indices": user_indices,
        "item_indices": item_indices,
        "ug": 0.01 * jax.random.normal(ks[2], (NUM_USERS, EMBED_DIM), dtype=jnp.float32),
        "ig": 0.01 * jax.random.normal(ks[3], (NUM_ITEMS, EMBED_DIM), dtype=jnp.float32),
        "um": 0.01 * jax.random.normal(ks[4], (NUM_USERS, EMBED_DIM), dtype=jnp.float32),
        "im": 0.01 * jax.random.normal(ks[5], (NUM_ITEMS, EMBED_DIM), dtype=jnp.float32),
    }
    in_dim = 2 * EMBED_DIM
    dims = [in_dim] + LAYERS
    for i in range(len(LAYERS)):
        inp[f"W{i}"] = 0.01 * jax.random.normal(ks[6 + i], (dims[i], dims[i + 1]), dtype=jnp.float32)
        inp[f"b{i}"] = jnp.zeros((dims[i + 1],), dtype=jnp.float32)
    inp["Wo"] = 0.01 * jax.random.normal(ks[12], (LAYERS[-1] + EMBED_DIM, 1), dtype=jnp.float32)
    inp["bo"] = jnp.zeros((1,), dtype=jnp.float32)
    return inp


def reference(user_indices, item_indices, ug, ig, um, im, W0, b0, W1, b1, W2, b2, W3, b3, Wo, bo):
    # GMF branch: elementwise product of gathered embeddings
    user_embeds_gmf = jnp.take(ug, user_indices, axis=0)
    item_embeds_gmf = jnp.take(ig, item_indices, axis=0)
    gmf_output = user_embeds_gmf * item_embeds_gmf
    # MLP branch
    user_embeds_mlp = jnp.take(um, user_indices, axis=0)
    item_embeds_mlp = jnp.take(im, item_indices, axis=0)
    h = jnp.concatenate([user_embeds_mlp, item_embeds_mlp], axis=1)
    # Linear -> ReLU -> Dropout(eval: identity) stack
    h = jax.nn.relu(h @ W0 + b0)
    h = jax.nn.relu(h @ W1 + b1)
    h = jax.nn.relu(h @ W2 + b2)
    h = jax.nn.relu(h @ W3 + b3)
    concat_output = jnp.concatenate([gmf_output, h], axis=1)
    prediction = concat_output @ Wo + bo
    return jnp.squeeze(prediction, axis=-1)

if __name__ == "__main__":
    import jax
    _d = setup_inputs()
    print(jax.jit(kernel)(*tuple(_d.values())))

</pallas_src>

<mosaic_0001>
#map = affine_map<(d0, d1) -> (0)>
#map1 = affine_map<(d0, d1) -> (0, 0)>
module attributes {stable_mosaic.version = 14 : i64} {
  func.func @k(%arg0: i32, %arg1: i32, %arg2: memref<16384xi32, #tpu.memory_space<hbm>>, %arg3: memref<16384xi32, #tpu.memory_space<hbm>>, %arg4: memref<100000x128xf32, #tpu.memory_space<hbm>>, %arg5: memref<16384x128xf32, #tpu.memory_space<hbm>>, %arg6: memref<16384x128xf32, #tpu.memory_space<hbm>>, %arg7: memref<512xi32, #tpu.memory_space<vmem>>, %arg8: memref<512xi32, #tpu.memory_space<vmem>>, %arg9: memref<256x128xf32, #tpu.memory_space<vmem>>, %arg10: memref<256x128xf32, #tpu.memory_space<vmem>>, %arg11: memref<!tpu.dma_semaphore, #tpu.memory_space<semaphore_mem>>, %arg12: memref<!tpu.dma_semaphore, #tpu.memory_space<semaphore_mem>>) attributes {dimension_semantics = [#tpu.dimension_semantics<core_parallel>, #tpu.dimension_semantics<subcore_parallel>], iteration_bounds = array<i64: 2, 16>, scalar_prefetch = 0 : i64, scratch_operands = 6 : i64, tpu.core_type = #tpu.core_type<sc_vector_subcore>, window_params = [{transform_indices = #map}, {transform_indices = #map}, {transform_indices = #map1}, {transform_indices = #map1}, {transform_indices = #map1}]} {
    %mul3A = arith.constant 2 : i32
    %mul3A_0 = arith.muli %arg1, %mul3A : i32
    %add3A = arith.addi %mul3A_0, %arg0 : i32
    %mul3A_1 = arith.constant 512 : i32
    %mul3A_2 = arith.muli %add3A, %mul3A_1 : i32
    "tpu.region"() ({
      %run_scoped3A = tpu.sem_alloc : memref<!tpu.dma_semaphore, #tpu.memory_space<semaphore_mem>>
      %dma_start3A_45 = tpu.memref_slice %arg2[%mul3A_2] : memref<16384xi32, #tpu.memory_space<hbm>> -> memref<512xi32, #tpu.memory_space<hbm>>
      %dma_start3A_46 = tpu.memref_slice %arg2[%mul3A_2] : memref<16384xi32, #tpu.memory_space<hbm>> -> memref<512xi32, #tpu.memory_space<hbm>>
      tpu.enqueue_dma source(%dma_start3A_46 : memref<512xi32, #tpu.memory_space<hbm>>) target(%arg7 : memref<512xi32, #tpu.memory_space<vmem>>) target_semaphore(%run_scoped3A : memref<!tpu.dma_semaphore, #tpu.memory_space<semaphore_mem>>)
      %dma_wait3A_47 = tpu.memref_slice %arg2[%mul3A_2] : memref<16384xi32, #tpu.memory_space<hbm>> -> memref<512xi32, #tpu.memory_space<hbm>>
      %dma_wait3A_48 = tpu.memref_slice %arg2[%mul3A_2] : memref<16384xi32, #tpu.memory_space<hbm>> -> memref<512xi32, #tpu.memory_space<hbm>>
      tpu.wait_dma2 semaphore(%run_scoped3A : memref<!tpu.dma_semaphore, #tpu.memory_space<semaphore_mem>>) src(%dma_wait3A_48 : memref<512xi32, #tpu.memory_space<hbm>>) dst(%arg7 : memref<512xi32, #tpu.memory_space<vmem>>)
      tpu.yield
    }) : () -> ()
    "tpu.region"() ({
      %run_scoped3A = tpu.sem_alloc : memref<!tpu.dma_semaphore, #tpu.memory_space<semaphore_mem>>
      %dma_start3A_45 = tpu.memref_slice %arg3[%mul3A_2] : memref<16384xi32, #tpu.memory_space<hbm>> -> memref<512xi32, #tpu.memory_space<hbm>>
      %dma_start3A_46 = tpu.memref_slice %arg3[%mul3A_2] : memref<16384xi32, #tpu.memory_space<hbm>> -> memref<512xi32, #tpu.memory_space<hbm>>
      tpu.enqueue_dma source(%dma_start3A_46 : memref<512xi32, #tpu.memory_space<hbm>>) target(%arg8 : memref<512xi32, #tpu.memory_space<vmem>>) target_semaphore(%run_scoped3A : memref<!tpu.dma_semaphore, #tpu.memory_space<semaphore_mem>>)
      %dma_wait3A_47 = tpu.memref_slice %arg3[%mul3A_2] : memref<16384xi32, #tpu.memory_space<hbm>> -> memref<512xi32, #tpu.memory_space<hbm>>
      %dma_wait3A_48 = tpu.memref_slice %arg3[%mul3A_2] : memref<16384xi32, #tpu.memory_space<hbm>> -> memref<512xi32, #tpu.memory_space<hbm>>
      tpu.wait_dma2 semaphore(%run_scoped3A : memref<!tpu.dma_semaphore, #tpu.memory_space<semaphore_mem>>) src(%dma_wait3A_48 : memref<512xi32, #tpu.memory_space<hbm>>) dst(%arg8 : memref<512xi32, #tpu.memory_space<vmem>>)
      tpu.yield
    }) : () -> ()
    %dma_start3A = arith.constant 0 : i32
    %dma_start3A_3 = tpu.memref_slice %arg7[%dma_start3A] : memref<512xi32, #tpu.memory_space<vmem>> -> memref<256xi32, #tpu.memory_space<vmem>>
    %dma_start3A_4 = arith.constant 0 : i32
    %dma_start3A_5 = arith.constant 0 : i32
    %dma_start3A_6 = tpu.memref_slice %arg4[%dma_start3A_4, %dma_start3A_5] : memref<100000x128xf32, #tpu.memory_space<hbm>> -> memref<100000x128xf32, #tpu.memory_space<hbm>>
    tpu.enqueue_indirect_dma source(%dma_start3A_6 : memref<100000x128xf32, #tpu.memory_space<hbm>>) target(%arg9 : memref<256x128xf32, #tpu.memory_space<vmem>>) offsets(%dma_start3A_3 : memref<256xi32, #tpu.memory_space<vmem>>) semaphore(%arg11 : memref<!tpu.dma_semaphore, #tpu.memory_space<semaphore_mem>>)
    %dma_start3A_7 = arith.constant 0 : i32
    %dma_start3A_8 = tpu.memref_slice %arg8[%dma_start3A_7] : memref<512xi32, #tpu.memory_space<vmem>> -> memref<256xi32, #tpu.memory_space<vmem>>
    %dma_start3A_9 = arith.constant 0 : i32
    %dma_start3A_10 = arith.constant 0 : i32
    %dma_start3A_11 = tpu.memref_slice %arg4[%dma_start3A_9, %dma_start3A_10] : memref<100000x128xf32, #tpu.memory_space<hbm>> -> memref<100000x128xf32, #tpu.memory_space<hbm>>
    tpu.enqueue_indirect_dma source(%dma_start3A_11 : memref<100000x128xf32, #tpu.memory_space<hbm>>) target(%arg10 : memref<256x128xf32, #tpu.memory_space<vmem>>) offsets(%dma_start3A_8 : memref<256xi32, #tpu.memory_space<vmem>>) semaphore(%arg12 : memref<!tpu.dma_semaphore, #tpu.memory_space<semaphore_mem>>)
    %dma_wait3A = arith.constant 0 : i32
    %dma_wait3A_12 = tpu.memref_slice %arg7[%dma_wait3A] : memref<512xi32, #tpu.memory_space<vmem>> -> memref<256xi32, #tpu.memory_space<vmem>>
    %dma_wait3A_13 = arith.constant 0 : i32
    %dma_wait3A_14 = arith.constant 0 : i32
    %dma_wait3A_15 = tpu.memref_slice %arg4[%dma_wait3A_13, %dma_wait3A_14] : memref<100000x128xf32, #tpu.memory_space<hbm>> -> memref<100000x128xf32, #tpu.memory_space<hbm>>
    tpu.wait_indirect_dma semaphore(%arg11 : memref<!tpu.dma_semaphore, #tpu.memory_space<semaphore_mem>>) src(%dma_wait3A_15 : memref<100000x128xf32, #tpu.memory_space<hbm>>) dst(%arg9 : memref<256x128xf32, #tpu.memory_space<vmem>>)
    "tpu.region"() ({
      %run_scoped3A = tpu.sem_alloc : memref<!tpu.dma_semaphore, #tpu.memory_space<semaphore_mem>>
      %dma_start3A_45 = arith.constant 0 : i32
      %dma_start3A_46 = tpu.memref_slice %arg5[%mul3A_2, %dma_start3A_45] : memref<16384x128xf32, #tpu.memory_space<hbm>> -> memref<256x128xf32, #tpu.memory_space<hbm>>
      %dma_start3A_47 = arith.constant 0 : i32
      %dma_start3A_48 = tpu.memref_slice %arg5[%mul3A_2, %dma_start3A_47] : memref<16384x128xf32, #tpu.memory_space<hbm>> -> memref<256x128xf32, #tpu.memory_space<hbm>>
      tpu.enqueue_dma source(%arg9 : memref<256x128xf32, #tpu.memory_space<vmem>>) target(%dma_start3A_48 : memref<256x128xf32, #tpu.memory_space<hbm>>) target_semaphore(%run_scoped3A : memref<!tpu.dma_semaphore, #tpu.memory_space<semaphore_mem>>)
      %dma_wait3A_49 = arith.constant 0 : i32
      %dma_wait3A_50 = tpu.memref_slice %arg5[%mul3A_2, %dma_wait3A_49] : memref<16384x128xf32, #tpu.memory_space<hbm>> -> memref<256x128xf32, #tpu.memory_space<hbm>>
      %dma_wait3A_51 = arith.constant 0 : i32
      %dma_wait3A_52 = tpu.memref_slice %arg5[%mul3A_2, %dma_wait3A_51] : memref<16384x128xf32, #tpu.memory_space<hbm>> -> memref<256x128xf32, #tpu.memory_space<hbm>>
      tpu.wait_dma2 semaphore(%run_scoped3A : memref<!tpu.dma_semaphore, #tpu.memory_space<semaphore_mem>>) src(%arg9 : memref<256x128xf32, #tpu.memory_space<vmem>>) dst(%dma_wait3A_52 : memref<256x128xf32, #tpu.memory_space<hbm>>)
      tpu.yield
    }) : () -> ()
    %dma_start3A_16 = arith.constant 256 : i32
    %dma_start3A_17 = tpu.memref_slice %arg7[%dma_start3A_16] : memref<512xi32, #tpu.memory_space<vmem>> -> memref<256xi32, #tpu.memory_space<vmem>>
    %dma_start3A_18 = arith.constant 0 : i32
    %dma_start3A_19 = arith.constant 0 : i32
    %dma_start3A_20 = tpu.memref_slice %arg4[%dma_start3A_18, %dma_start3A_19] : memref<100000x128xf32, #tpu.memory_space<hbm>> -> memref<100000x128xf32, #tpu.memory_space<hbm>>
    tpu.enqueue_indirect_dma source(%dma_start3A_20 : memref<100000x128xf32, #tpu.memory_space<hbm>>) target(%arg9 : memref<256x128xf32, #tpu.memory_space<vmem>>) offsets(%dma_start3A_17 : memref<256xi32, #tpu.memory_space<vmem>>) semaphore(%arg11 : memref<!tpu.dma_semaphore, #tpu.memory_space<semaphore_mem>>)
    %dma_wait3A_21 = arith.constant 0 : i32
    %dma_wait3A_22 = tpu.memref_slice %arg8[%dma_wait3A_21] : memref<512xi32, #tpu.memory_space<vmem>> -> memref<256xi32, #tpu.memory_space<vmem>>
    %dma_wait3A_23 = arith.constant 0 : i32
    %dma_wait3A_24 = arith.constant 0 : i32
    %dma_wait3A_25 = tpu.memref_slice %arg4[%dma_wait3A_23, %dma_wait3A_24] : memref<100000x128xf32, #tpu.memory_space<hbm>> -> memref<100000x128xf32, #tpu.memory_space<hbm>>
    tpu.wait_indirect_dma semaphore(%arg12 : memref<!tpu.dma_semaphore, #tpu.memory_space<semaphore_mem>>) src(%dma_wait3A_25 : memref<100000x128xf32, #tpu.memory_space<hbm>>) dst(%arg10 : memref<256x128xf32, #tpu.memory_space<vmem>>)
    "tpu.region"() ({
      %run_scoped3A = tpu.sem_alloc : memref<!tpu.dma_semaphore, #tpu.memory_space<semaphore_mem>>
      %dma_start3A_45 = arith.constant 0 : i32
      %dma_start3A_46 = tpu.memref_slice %arg6[%mul3A_2, %dma_start3A_45] : memref<16384x128xf32, #tpu.memory_space<hbm>> -> memref<256x128xf32, #tpu.memory_space<hbm>>
      %dma_start3A_47 = arith.constant 0 : i32
      %dma_start3A_48 = tpu.memref_slice %arg6[%mul3A_2, %dma_start3A_47] : memref<16384x128xf32, #tpu.memory_space<hbm>> -> memref<256x128xf32, #tpu.memory_space<hbm>>
      tpu.enqueue_dma source(%arg10 : memref<256x128xf32, #tpu.memory_space<vmem>>) target(%dma_start3A_48 : memref<256x128xf32, #tpu.memory_space<hbm>>) target_semaphore(%run_scoped3A : memref<!tpu.dma_semaphore, #tpu.memory_space<semaphore_mem>>)
      %dma_wait3A_49 = arith.constant 0 : i32
      %dma_wait3A_50 = tpu.memref_slice %arg6[%mul3A_2, %dma_wait3A_49] : memref<16384x128xf32, #tpu.memory_space<hbm>> -> memref<256x128xf32, #tpu.memory_space<hbm>>
      %dma_wait3A_51 = arith.constant 0 : i32
      %dma_wait3A_52 = tpu.memref_slice %arg6[%mul3A_2, %dma_wait3A_51] : memref<16384x128xf32, #tpu.memory_space<hbm>> -> memref<256x128xf32, #tpu.memory_space<hbm>>
      tpu.wait_dma2 semaphore(%run_scoped3A : memref<!tpu.dma_semaphore, #tpu.memory_space<semaphore_mem>>) src(%arg10 : memref<256x128xf32, #tpu.memory_space<vmem>>) dst(%dma_wait3A_52 : memref<256x128xf32, #tpu.memory_space<hbm>>)
      tpu.yield
    }) : () -> ()
    %dma_start3A_26 = arith.constant 256 : i32
    %dma_start3A_27 = tpu.memref_slice %arg8[%dma_start3A_26] : memref<512xi32, #tpu.memory_space<vmem>> -> memref<256xi32, #tpu.memory_space<vmem>>
    %dma_start3A_28 = arith.constant 0 : i32
    %dma_start3A_29 = arith.constant 0 : i32
    %dma_start3A_30 = tpu.memref_slice %arg4[%dma_start3A_28, %dma_start3A_29] : memref<100000x128xf32, #tpu.memory_space<hbm>> -> memref<100000x128xf32, #tpu.memory_space<hbm>>
    tpu.enqueue_indirect_dma source(%dma_start3A_30 : memref<100000x128xf32, #tpu.memory_space<hbm>>) target(%arg10 : memref<256x128xf32, #tpu.memory_space<vmem>>) offsets(%dma_start3A_27 : memref<256xi32, #tpu.memory_space<vmem>>) semaphore(%arg12 : memref<!tpu.dma_semaphore, #tpu.memory_space<semaphore_mem>>)
    %dma_wait3A_31 = arith.constant 256 : i32
    %dma_wait3A_32 = tpu.memref_slice %arg7[%dma_wait3A_31] : memref<512xi32, #tpu.memory_space<vmem>> -> memref<256xi32, #tpu.memory_space<vmem>>
    %dma_wait3A_33 = arith.constant 0 : i32
    %dma_wait3A_34 = arith.constant 0 : i32
    %dma_wait3A_35 = tpu.memref_slice %arg4[%dma_wait3A_33, %dma_wait3A_34] : memref<100000x128xf32, #tpu.memory_space<hbm>> -> memref<100000x128xf32, #tpu.memory_space<hbm>>
    tpu.wait_indirect_dma semaphore(%arg11 : memref<!tpu.dma_semaphore, #tpu.memory_space<semaphore_mem>>) src(%dma_wait3A_35 : memref<100000x128xf32, #tpu.memory_space<hbm>>) dst(%arg9 : memref<256x128xf32, #tpu.memory_space<vmem>>)
    %add3A_36 = arith.constant 256 : i32
    %add3A_37 = arith.addi %mul3A_2, %add3A_36 : i32
    "tpu.region"() ({
      %run_scoped3A = tpu.sem_alloc : memref<!tpu.dma_semaphore, #tpu.memory_space<semaphore_mem>>
      %dma_start3A_45 = arith.constant 0 : i32
      %dma_start3A_46 = tpu.memref_slice %arg5[%add3A_37, %dma_start3A_45] : memref<16384x128xf32, #tpu.memory_space<hbm>> -> memref<256x128xf32, #tpu.memory_space<hbm>>
      %dma_start3A_47 = arith.constant 0 : i32
      %dma_start3A_48 = tpu.memref_slice %arg5[%add3A_37, %dma_start3A_47] : memref<16384x128xf32, #tpu.memory_space<hbm>> -> memref<256x128xf32, #tpu.memory_space<hbm>>
      tpu.enqueue_dma source(%arg9 : memref<256x128xf32, #tpu.memory_space<vmem>>) target(%dma_start3A_48 : memref<256x128xf32, #tpu.memory_space<hbm>>) target_semaphore(%run_scoped3A : memref<!tpu.dma_semaphore, #tpu.memory_space<semaphore_mem>>)
      %dma_wait3A_49 = arith.constant 0 : i32
      %dma_wait3A_50 = tpu.memref_slice %arg5[%add3A_37, %dma_wait3A_49] : memref<16384x128xf32, #tpu.memory_space<hbm>> -> memref<256x128xf32, #tpu.memory_space<hbm>>
      %dma_wait3A_51 = arith.constant 0 : i32
      %dma_wait3A_52 = tpu.memref_slice %arg5[%add3A_37, %dma_wait3A_51] : memref<16384x128xf32, #tpu.memory_space<hbm>> -> memref<256x128xf32, #tpu.memory_space<hbm>>
      tpu.wait_dma2 semaphore(%run_scoped3A : memref<!tpu.dma_semaphore, #tpu.memory_space<semaphore_mem>>) src(%arg9 : memref<256x128xf32, #tpu.memory_space<vmem>>) dst(%dma_wait3A_52 : memref<256x128xf32, #tpu.memory_space<hbm>>)
      tpu.yield
    }) : () -> ()
    %dma_wait3A_38 = arith.constant 256 : i32
    %dma_wait3A_39 = tpu.memref_slice %arg8[%dma_wait3A_38] : memref<512xi32, #tpu.memory_space<vmem>> -> memref<256xi32, #tpu.memory_space<vmem>>
    %dma_wait3A_40 = arith.constant 0 : i32
    %dma_wait3A_41 = arith.constant 0 : i32
    %dma_wait3A_42 = tpu.memref_slice %arg4[%dma_wait3A_40, %dma_wait3A_41] : memref<100000x128xf32, #tpu.memory_space<hbm>> -> memref<100000x128xf32, #tpu.memory_space<hbm>>
    tpu.wait_indirect_dma semaphore(%arg12 : memref<!tpu.dma_semaphore, #tpu.memory_space<semaphore_mem>>) src(%dma_wait3A_42 : memref<100000x128xf32, #tpu.memory_space<hbm>>) dst(%arg10 : memref<256x128xf32, #tpu.memory_space<vmem>>)
    %add3A_43 = arith.constant 256 : i32
    %add3A_44 = arith.addi %mul3A_2, %add3A_43 : i32
    "tpu.region"() ({
      %run_scoped3A = tpu.sem_alloc : memref<!tpu.dma_semaphore, #tpu.memory_space<semaphore_mem>>
      %dma_start3A_45 = arith.constant 0 : i32
      %dma_start3A_46 = tpu.memref_slice %arg6[%add3A_44, %dma_start3A_45] : memref<16384x128xf32, #tpu.memory_space<hbm>> -> memref<256x128xf32, #tpu.memory_space<hbm>>
      %dma_start3A_47 = arith.constant 0 : i32
      %dma_start3A_48 = tpu.memref_slice %arg6[%add3A_44, %dma_start3A_47] : memref<16384x128xf32, #tpu.memory_space<hbm>> -> memref<256x128xf32, #tpu.memory_space<hbm>>
      tpu.enqueue_dma source(%arg10 : memref<256x128xf32, #tpu.memory_space<vmem>>) target(%dma_start3A_48 : memref<256x128xf32, #tpu.memory_space<hbm>>) target_semaphore(%run_scoped3A : memref<!tpu.dma_semaphore, #tpu.memory_space<semaphore_mem>>)
      %dma_wait3A_49 = arith.constant 0 : i32
      %dma_wait3A_50 = tpu.memref_slice %arg6[%add3A_44, %dma_wait3A_49] : memref<16384x128xf32, #tpu.memory_space<hbm>> -> memref<256x128xf32, #tpu.memory_space<hbm>>
      %dma_wait3A_51 = arith.constant 0 : i32
      %dma_wait3A_52 = tpu.memref_slice %arg6[%add3A_44, %dma_wait3A_51] : memref<16384x128xf32, #tpu.memory_space<hbm>> -> memref<256x128xf32, #tpu.memory_space<hbm>>
      tpu.wait_dma2 semaphore(%run_scoped3A : memref<!tpu.dma_semaphore, #tpu.memory_space<semaphore_mem>>) src(%arg10 : memref<256x128xf32, #tpu.memory_space<vmem>>) dst(%dma_wait3A_52 : memref<256x128xf32, #tpu.memory_space<hbm>>)
      tpu.yield
    }) : () -> ()
    return
  }
}

module attributes {stable_mosaic.version = 14 : i64} {
  func.func @_pack_body(%arg0: i32, %arg1: memref<32x4096xf32, #tpu.memory_space<vmem>>, %arg2: memref<32x4096xf32, #tpu.memory_space<vmem>>, %arg3: memref<32x4096xf32, #tpu.memory_space<vmem>>, %arg4: memref<32x4096xf32, #tpu.memory_space<vmem>>, %arg5: memref<4096x128xf32, #tpu.memory_space<vmem>>) attributes {dimension_semantics = [#tpu.dimension_semantics<parallel>], iteration_bounds = array<i64: 25>, scalar_prefetch = 0 : i64, scratch_operands = 0 : i64, tpu.core_type = #tpu.core_type<tc>, window_params = [{transform_indices = @transform_0, window_bounds = array<i64: 32, 4096>}, {transform_indices = @transform_1, window_bounds = array<i64: 32, 4096>}, {transform_indices = @transform_2, window_bounds = array<i64: 32, 4096>}, {transform_indices = @transform_3, window_bounds = array<i64: 32, 4096>}, {transform_indices = @transform_4, window_bounds = array<i64: 4096, 128>}]} {
    %get3A = arith.constant 0 : index
    %get3A_0 = arith.constant 0 : index
    %get3A_1 = vector.load %arg1[%get3A, %get3A_0] : memref<32x4096xf32, #tpu.memory_space<vmem>>, vector<32x4096xf32>
    %convert_element_type3A = arith.truncf %get3A_1 : vector<32x4096xf32> to vector<32x4096xbf16>
    %convert_element_type3A_2 = arith.extf %convert_element_type3A : vector<32x4096xbf16> to vector<32x4096xf32>
    %sub3A = arith.subf %get3A_1, %convert_element_type3A_2 : vector<32x4096xf32>
    %convert_element_type3A_3 = arith.truncf %sub3A : vector<32x4096xf32> to vector<32x4096xbf16>
    %iota3A = tpu.iota {dimensions = array<i32: 0>} : vector<32x128xi32>
    %iota3A_4 = tpu.iota {dimensions = array<i32: 1>} : vector<32x128xi32>
    %add3A = arith.constant 0 : i32
    %add3A_5 = vector.broadcast %add3A : i32 to vector<32x128xi32>
    %add3A_6 = arith.addi %iota3A, %add3A_5 : vector<32x128xi32>
    %eq3A = arith.cmpi eq, %add3A_6, %iota3A_4 : vector<32x128xi32>
    %convert_element_type3A_7 = arith.extui %eq3A : vector<32x128xi1> to vector<32x128xi32>
    %convert_element_type3A_8 = arith.sitofp %convert_element_type3A_7 : vector<32x128xi32> to vector<32x128xf32>
    %convert_element_type3A_9 = arith.truncf %convert_element_type3A_8 : vector<32x128xf32> to vector<32x128xbf16>
    %dot_general3A = arith.constant dense<0.000000e+00> : vector<4096x128xf32>
    %dot_general3A_10 = tpu.matmul %convert_element_type3A, %convert_element_type3A_9, %dot_general3A {dimension_numbers = #tpu.dot_dimension_numbers<[0], [0], [1], [1], [0, 1, 1, 1], [], []>, transpose_lhs_hint = false} : vector<32x4096xbf16>, vector<32x128xbf16>, vector<4096x128xf32> -> vector<4096x128xf32>
    %iota3A_11 = tpu.iota {dimensions = array<i32: 0>} : vector<32x128xi32>
    %iota3A_12 = tpu.iota {dimensions = array<i32: 1>} : vector<32x128xi32>
    %add3A_13 = arith.constant 0 : i32
    %add3A_14 = vector.broadcast %add3A_13 : i32 to vector<32x128xi32>
    %add3A_15 = arith.addi %iota3A_11, %add3A_14 : vector<32x128xi32>
    %eq3A_16 = arith.cmpi eq, %add3A_15, %iota3A_12 : vector<32x128xi32>
    %convert_element_type3A_17 = arith.extui %eq3A_16 : vector<32x128xi1> to vector<32x128xi32>
    %convert_element_type3A_18 = arith.sitofp %convert_element_type3A_17 : vector<32x128xi32> to vector<32x128xf32>
    %convert_element_type3A_19 = arith.truncf %convert_element_type3A_18 : vector<32x128xf32> to vector<32x128xbf16>
    %dot_general3A_20 = arith.constant dense<0.000000e+00> : vector<4096x128xf32>
    %dot_general3A_21 = tpu.matmul %convert_element_type3A_3, %convert_element_type3A_19, %dot_general3A_20 {dimension_numbers = #tpu.dot_dimension_numbers<[0], [0], [1], [1], [0, 1, 1, 1], [], []>, transpose_lhs_hint = false} : vector<32x4096xbf16>, vector<32x128xbf16>, vector<4096x128xf32> -> vector<4096x128xf32>
    %add3A_22 = arith.addf %dot_general3A_10, %dot_general3A_21 : vector<4096x128xf32>
    %get3A_23 = arith.constant 0 : index
    %get3A_24 = arith.constant 0 : index
    %get3A_25 = vector.load %arg2[%get3A_23, %get3A_24] : memref<32x4096xf32, #tpu.memory_space<vmem>>, vector<32x4096xf32>
    %convert_element_type3A_26 = arith.truncf %get3A_25 : vector<32x4096xf32> to vector<32x4096xbf16>
    %iota3A_27 = tpu.iota {dimensions = array<i32: 0>} : vector<32x128xi32>
    %iota3A_28 = tpu.iota {dimensions = array<i32: 1>} : vector<32x128xi32>
    %add3A_29 = arith.constant 32 : i32
    %add3A_30 = vector.broadcast %add3A_29 : i32 to vector<32x128xi32>
    %add3A_31 = arith.addi %iota3A_27, %add3A_30 : vector<32x128xi32>
    %eq3A_32 = arith.cmpi eq, %add3A_31, %iota3A_28 : vector<32x128xi32>
    %convert_element_type3A_33 = arith.extui %eq3A_32 : vector<32x128xi1> to vector<32x128xi32>
    %convert_element_type3A_34 = arith.sitofp %convert_element_type3A_33 : vector<32x128xi32> to vector<32x128xf32>
    %convert_element_type3A_35 = arith.truncf %convert_element_type3A_34 : vector<32x128xf32> to vector<32x128xbf16>
    %dot_general3A_36 = arith.constant dense<0.000000e+00> : vector<4096x128xf32>
    %dot_general3A_37 = tpu.matmul %convert_element_type3A_26, %convert_element_type3A_35, %dot_general3A_36 {dimension_numbers = #tpu.dot_dimension_numbers<[0], [0], [1], [1], [0, 1, 1, 1], [], []>, transpose_lhs_hint = false} : vector<32x4096xbf16>, vector<32x128xbf16>, vector<4096x128xf32> -> vector<4096x128xf32>
    %add3A_38 = arith.addf %add3A_22, %dot_general3A_37 : vector<4096x128xf32>
    %get3A_39 = arith.constant 0 : index
    %get3A_40 = arith.constant 0 : index
    %get3A_41 = vector.load %arg3[%get3A_39, %get3A_40] : memref<32x4096xf32, #tpu.memory_space<vmem>>, vector<32x4096xf32>
    %convert_element_type3A_42 = arith.truncf %get3A_41 : vector<32x4096xf32> to vector<32x4096xbf16>
    %convert_element_type3A_43 = arith.extf %convert_element_type3A_42 : vector<32x4096xbf16> to vector<32x4096xf32>
    %sub3A_44 = arith.subf %get3A_41, %convert_element_type3A_43 : vector<32x4096xf32>
    %convert_element_type3A_45 = arith.truncf %sub3A_44 : vector<32x4096xf32> to vector<32x4096xbf16>
    %iota3A_46 = tpu.iota {dimensions = array<i32: 0>} : vector<32x128xi32>
    %iota3A_47 = tpu.iota {dimensions = array<i32: 1>} : vector<32x128xi32>
    %add3A_48 = arith.constant 64 : i32
    %add3A_49 = vector.broadcast %add3A_48 : i32 to vector<32x128xi32>
    %add3A_50 = arith.addi %iota3A_46, %add3A_49 : vector<32x128xi32>
    %eq3A_51 = arith.cmpi eq, %add3A_50, %iota3A_47 : vector<32x128xi32>
    %convert_element_type3A_52 = arith.extui %eq3A_51 : vector<32x128xi1> to vector<32x128xi32>
    %convert_element_type3A_53 = arith.sitofp %convert_element_type3A_52 : vector<32x128xi32> to vector<32x128xf32>
    %convert_element_type3A_54 = arith.truncf %convert_element_type3A_53 : vector<32x128xf32> to vector<32x128xbf16>
    %dot_general3A_55 = arith.constant dense<0.000000e+00> : vector<4096x128xf32>
    %dot_general3A_56 = tpu.matmul %convert_element_type3A_42, %convert_element_type3A_54, %dot_general3A_55 {dimension_numbers = #tpu.dot_dimension_numbers<[0], [0], [1], [1], [0, 1, 1, 1], [], []>, transpose_lhs_hint = false} : vector<32x4096xbf16>, vector<32x128xbf16>, vector<4096x128xf32> -> vector<4096x128xf32>
    %iota3A_57 = tpu.iota {dimensions = array<i32: 0>} : vector<32x128xi32>
    %iota3A_58 = tpu.iota {dimensions = array<i32: 1>} : vector<32x128xi32>
    %add3A_59 = arith.constant 64 : i32
    %add3A_60 = vector.broadcast %add3A_59 : i32 to vector<32x128xi32>
    %add3A_61 = arith.addi %iota3A_57, %add3A_60 : vector<32x128xi32>
    %eq3A_62 = arith.cmpi eq, %add3A_61, %iota3A_58 : vector<32x128xi32>
    %convert_element_type3A_63 = arith.extui %eq3A_62 : vector<32x128xi1> to vector<32x128xi32>
    %convert_element_type3A_64 = arith.sitofp %convert_element_type3A_63 : vector<32x128xi32> to vector<32x128xf32>
    %convert_element_type3A_65 = arith.truncf %convert_element_type3A_64 : vector<32x128xf32> to vector<32x128xbf16>
    %dot_general3A_66 = arith.constant dense<0.000000e+00> : vector<4096x128xf32>
    %dot_general3A_67 = tpu.matmul %convert_element_type3A_45, %convert_element_type3A_65, %dot_general3A_66 {dimension_numbers = #tpu.dot_dimension_numbers<[0], [0], [1], [1], [0, 1, 1, 1], [], []>, transpose_lhs_hint = false} : vector<32x4096xbf16>, vector<32x128xbf16>, vector<4096x128xf32> -> vector<4096x128xf32>
    %add3A_68 = arith.addf %dot_general3A_56, %dot_general3A_67 : vector<4096x128xf32>
    %get3A_69 = arith.constant 0 : index
    %get3A_70 = arith.constant 0 : index
    %get3A_71 = vector.load %arg4[%get3A_69, %get3A_70] : memref<32x4096xf32, #tpu.memory_space<vmem>>, vector<32x4096xf32>
    %convert_element_type3A_72 = arith.truncf %get3A_71 : vector<32x4096xf32> to vector<32x4096xbf16>
    %iota3A_73 = tpu.iota {dimensions = array<i32: 0>} : vector<32x128xi32>
    %iota3A_74 = tpu.iota {dimensions = array<i32: 1>} : vector<32x128xi32>
    %add3A_75 = arith.constant 96 : i32
    %add3A_76 = vector.broadcast %add3A_75 : i32 to vector<32x128xi32>
    %add3A_77 = arith.addi %iota3A_73, %add3A_76 : vector<32x128xi32>
    %eq3A_78 = arith.cmpi eq, %add3A_77, %iota3A_74 : vector<32x128xi32>
    %convert_element_type3A_79 = arith.extui %eq3A_78 : vector<32x128xi1> to vector<32x128xi32>
    %convert_element_type3A_80 = arith.sitofp %convert_element_type3A_79 : vector<32x128xi32> to vector<32x128xf32>
    %convert_element_type3A_81 = arith.truncf %convert_element_type3A_80 : vector<32x128xf32> to vector<32x128xbf16>
    %dot_general3A_82 = arith.constant dense<0.000000e+00> : vector<4096x128xf32>
    %dot_general3A_83 = tpu.matmul %convert_element_type3A_72, %convert_element_type3A_81, %dot_general3A_82 {dimension_numbers = #tpu.dot_dimension_numbers<[0], [0], [1], [1], [0, 1, 1, 1], [], []>, transpose_lhs_hint = false} : vector<32x4096xbf16>, vector<32x128xbf16>, vector<4096x128xf32> -> vector<4096x128xf32>
    %add3A_84 = arith.addf %add3A_68, %dot_general3A_83 : vector<4096x128xf32>
    %add3A_85 = arith.addf %add3A_38, %add3A_84 : vector<4096x128xf32>
    %swap3A = arith.constant 0 : index
    %swap3A_86 = arith.constant 0 : index
    %swap3A_87 = vector.load %arg5[%swap3A, %swap3A_86] : memref<4096x128xf32, #tpu.memory_space<vmem>>, vector<4096x128xf32>
    tpu.vector_store %arg5[%swap3A, %swap3A_86], %add3A_85 {strides = array<i32>} : memref<4096x128xf32, #tpu.memory_space<vmem>>, vector<4096x128xf32>,
    return
  }
  func.func @transform_0(%arg0: i32) -> (i32, i32) {
    %c0_i32 = arith.constant 0 : i32
    %c0_i32_0 = arith.constant 0 : i32
    return %c0_i32, %arg0 : i32, i32
  }
  func.func @transform_1(%arg0: i32) -> (i32, i32) {
    %c0_i32 = arith.constant 0 : i32
    %c0_i32_0 = arith.constant 0 : i32
    return %c0_i32, %arg0 : i32, i32
  }
  func.func @transform_2(%arg0: i32) -> (i32, i32) {
    %c0_i32 = arith.constant 0 : i32
    %c0_i32_0 = arith.constant 0 : i32
    return %c0_i32, %arg0 : i32, i32
  }
  func.func @transform_3(%arg0: i32) -> (i32, i32) {
    %c0_i32 = arith.constant 0 : i32
    %c0_i32_0 = arith.constant 0 : i32
    return %c0_i32, %arg0 : i32, i32
  }
  func.func @transform_4(%arg0: i32) -> (i32, i32) {
    %c0_i32 = arith.constant 0 : i32
    %c0_i32_0 = arith.constant 0 : i32
    return %arg0, %c0_i32 : i32, i32
  }
}

module attributes {stable_mosaic.version = 14 : i64} {
  func.func @_mlp_body(%arg0: i32, %arg1: memref<2048x128xf32, #tpu.memory_space<vmem>>, %arg2: memref<2048x128xf32, #tpu.memory_space<vmem>>, %arg3: memref<64x64xf32, #tpu.memory_space<vmem>>, %arg4: memref<1x64xf32, #tpu.memory_space<vmem>>, %arg5: memref<64x32xf32, #tpu.memory_space<vmem>>, %arg6: memref<1x32xf32, #tpu.memory_space<vmem>>, %arg7: memref<32x16xf32, #tpu.memory_space<vmem>>, %arg8: memref<1x16xf32, #tpu.memory_space<vmem>>, %arg9: memref<16x8xf32, #tpu.memory_space<vmem>>, %arg10: memref<1x8xf32, #tpu.memory_space<vmem>>, %arg11: memref<1x40xf32, #tpu.memory_space<vmem>>, %arg12: memref<1x1xf32, #tpu.memory_space<vmem>>, %arg13: memref<2048xf32, #tpu.memory_space<vmem>>) attributes {dimension_semantics = [#tpu.dimension_semantics<parallel>], iteration_bounds = array<i64: 8>, scalar_prefetch = 0 : i64, scratch_operands = 0 : i64, tpu.core_type = #tpu.core_type<tc>, window_params = [{transform_indices = @transform_0, window_bounds = array<i64: 2048, 128>}, {transform_indices = @transform_1, window_bounds = array<i64: 2048, 128>}, {pipeline_mode = #tpu.pipeline_mode<synchronous>, transform_indices = @transform_2, window_bounds = array<i64: 64, 64>}, {pipeline_mode = #tpu.pipeline_mode<synchronous>, transform_indices = @transform_3, window_bounds = array<i64: 1, 64>}, {pipeline_mode = #tpu.pipeline_mode<synchronous>, transform_indices = @transform_4, window_bounds = array<i64: 64, 32>}, {pipeline_mode = #tpu.pipeline_mode<synchronous>, transform_indices = @transform_5, window_bounds = array<i64: 1, 32>}, {pipeline_mode = #tpu.pipeline_mode<synchronous>, transform_indices = @transform_6, window_bounds = array<i64: 32, 16>}, {pipeline_mode = #tpu.pipeline_mode<synchronous>, transform_indices = @transform_7, window_bounds = array<i64: 1, 16>}, {pipeline_mode = #tpu.pipeline_mode<synchronous>, transform_indices = @transform_8, window_bounds = array<i64: 16, 8>}, {pipeline_mode = #tpu.pipeline_mode<synchronous>, transform_indices = @transform_9, window_bounds = array<i64: 1, 8>}, {pipeline_mode = #tpu.pipeline_mode<synchronous>, transform_indices = @transform_10, window_bounds = array<i64: 1, 40>}, {pipeline_mode = #tpu.pipeline_mode<synchronous>, transform_indices = @transform_11, window_bounds = array<i64: 1, 1>}, {transform_indices = @transform_12, window_bounds = array<i64: 2048>}]} {
    %get3A = arith.constant 0 : index
    %get3A_0 = arith.constant 0 : index
    %get3A_1 = vector.load %arg1[%get3A, %get3A_0] : memref<2048x128xf32, #tpu.memory_space<vmem>>, vector<2048x128xf32>
    %get3A_2 = arith.constant 0 : index
    %get3A_3 = arith.constant 0 : index
    %get3A_4 = vector.load %arg2[%get3A_2, %get3A_3] : memref<2048x128xf32, #tpu.memory_space<vmem>>, vector<2048x128xf32>
    %slice3A = vector.extract_strided_slice %get3A_1 {offsets = [0, 32], sizes = [2048, 32], strides = [1, 1]} : vector<2048x128xf32> to vector<2048x32xf32>
    %convert_element_type3A = arith.truncf %slice3A : vector<2048x32xf32> to vector<2048x32xbf16>
    %slice3A_5 = vector.extract_strided_slice %get3A_4 {offsets = [0, 96], sizes = [2048, 32], strides = [1, 1]} : vector<2048x128xf32> to vector<2048x32xf32>
    %convert_element_type3A_6 = arith.truncf %slice3A_5 : vector<2048x32xf32> to vector<2048x32xbf16>
    %get3A_7 = arith.constant 0 : index
    %get3A_8 = arith.constant 0 : index
    %get3A_9 = vector.load %arg3[%get3A_7, %get3A_8] : memref<64x64xf32, #tpu.memory_space<vmem>>, vector<64x64xf32>
    %convert_element_type3A_10 = arith.truncf %get3A_9 : vector<64x64xf32> to vector<64x64xbf16>
    %slice3A_11 = vector.extract_strided_slice %convert_element_type3A_10 {offsets = [0, 0], sizes = [32, 64], strides = [1, 1]} : vector<64x64xbf16> to vector<32x64xbf16>
    %dot_general3A = arith.constant dense<0.000000e+00> : vector<2048x64xf32>
    %dot_general3A_12 = tpu.matmul %convert_element_type3A, %slice3A_11, %dot_general3A {dimension_numbers = #tpu.dot_dimension_numbers<[1], [0], [0], [1], [0, 0, 1, 1], [], []>, transpose_lhs_hint = false} : vector<2048x32xbf16>, vector<32x64xbf16>, vector<2048x64xf32> -> vector<2048x64xf32>
    %slice3A_13 = vector.extract_strided_slice %convert_element_type3A_10 {offsets = [32, 0], sizes = [32, 64], strides = [1, 1]} : vector<64x64xbf16> to vector<32x64xbf16>
    %dot_general3A_14 = arith.constant dense<0.000000e+00> : vector<2048x64xf32>
    %dot_general3A_15 = tpu.matmul %convert_element_type3A_6, %slice3A_13, %dot_general3A_14 {dimension_numbers = #tpu.dot_dimension_numbers<[1], [0], [0], [1], [0, 0, 1, 1], [], []>, transpose_lhs_hint = false} : vector<2048x32xbf16>, vector<32x64xbf16>, vector<2048x64xf32> -> vector<2048x64xf32>
    %add3A = arith.addf %dot_general3A_12, %dot_general3A_15 : vector<2048x64xf32>
    %get3A_16 = arith.constant 0 : index
    %get3A_17 = arith.constant 0 : index
    %get3A_18 = vector.load %arg4[%get3A_16, %get3A_17] : memref<1x64xf32, #tpu.memory_space<vmem>>, vector<1x64xf32>
    %add3A_19 = vector.broadcast %get3A_18 : vector<1x64xf32> to vector<2048x64xf32>
    %add3A_20 = arith.addf %add3A, %add3A_19 : vector<2048x64xf32>
    %max3A = arith.constant 0.000000e+00 : f32
    %max3A_21 = vector.broadcast %max3A : f32 to vector<2048x64xf32>
    %max3A_22 = arith.maximumf %add3A_20, %max3A_21 : vector<2048x64xf32>
    %convert_element_type3A_23 = arith.truncf %max3A_22 : vector<2048x64xf32> to vector<2048x64xbf16>
    %get3A_24 = arith.constant 0 : index
    %get3A_25 = arith.constant 0 : index
    %get3A_26 = vector.load %arg5[%get3A_24, %get3A_25] : memref<64x32xf32, #tpu.memory_space<vmem>>, vector<64x32xf32>
    %convert_element_type3A_27 = arith.truncf %get3A_26 : vector<64x32xf32> to vector<64x32xbf16>
    %dot_general3A_28 = arith.constant dense<0.000000e+00> : vector<2048x32xf32>
    %dot_general3A_29 = tpu.matmul %convert_element_type3A_23, %convert_element_type3A_27, %dot_general3A_28 {dimension_numbers = #tpu.dot_dimension_numbers<[1], [0], [0], [1], [0, 0, 1, 1], [], []>, transpose_lhs_hint = false} : vector<2048x64xbf16>, vector<64x32xbf16>, vector<2048x32xf32> -> vector<2048x32xf32>
    %get3A_30 = arith.constant 0 : index
    %get3A_31 = arith.constant 0 : index
    %get3A_32 = vector.load %arg6[%get3A_30, %get3A_31] : memref<1x32xf32, #tpu.memory_space<vmem>>, vector<1x32xf32>
    %add3A_33 = vector.broadcast %get3A_32 : vector<1x32xf32> to vector<2048x32xf32>
    %add3A_34 = arith.addf %dot_general3A_29, %add3A_33 : vector<2048x32xf32>
    %max3A_35 = arith.constant 0.000000e+00 : f32
    %max3A_36 = vector.broadcast %max3A_35 : f32 to vector<2048x32xf32>
    %max3A_37 = arith.maximumf %add3A_34, %max3A_36 : vector<2048x32xf32>
    %convert_element_type3A_38 = arith.truncf %max3A_37 : vector<2048x32xf32> to vector<2048x32xbf16>
    %get3A_39 = arith.constant 0 : index
    %get3A_40 = arith.constant 0 : index
    %get3A_41 = vector.load %arg7[%get3A_39, %get3A_40] : memref<32x16xf32, #tpu.memory_space<vmem>>, vector<32x16xf32>
    %convert_element_type3A_42 = arith.truncf %get3A_41 : vector<32x16xf32> to vector<32x16xbf16>
    %dot_general3A_43 = arith.constant dense<0.000000e+00> : vector<2048x16xf32>
    %dot_general3A_44 = tpu.matmul %convert_element_type3A_38, %convert_element_type3A_42, %dot_general3A_43 {dimension_numbers = #tpu.dot_dimension_numbers<[1], [0], [0], [1], [0, 0, 1, 1], [], []>, transpose_lhs_hint = false} : vector<2048x32xbf16>, vector<32x16xbf16>, vector<2048x16xf32> -> vector<2048x16xf32>
    %get3A_45 = arith.constant 0 : index
    %get3A_46 = arith.constant 0 : index
    %get3A_47 = vector.load %arg8[%get3A_45, %get3A_46] : memref<1x16xf32, #tpu.memory_space<vmem>>, vector<1x16xf32>
    %add3A_48 = vector.broadcast %get3A_47 : vector<1x16xf32> to vector<2048x16xf32>
    %add3A_49 = arith.addf %dot_general3A_44, %add3A_48 : vector<2048x16xf32>
    %max3A_50 = arith.constant 0.000000e+00 : f32
    %max3A_51 = vector.broadcast %max3A_50 : f32 to vector<2048x16xf32>
    %max3A_52 = arith.maximumf %add3A_49, %max3A_51 : vector<2048x16xf32>
    %convert_element_type3A_53 = arith.truncf %max3A_52 : vector<2048x16xf32> to vector<2048x16xbf16>
    %get3A_54 = arith.constant 0 : index
    %get3A_55 = arith.constant 0 : index
    %get3A_56 = vector.load %arg9[%get3A_54, %get3A_55] : memref<16x8xf32, #tpu.memory_space<vmem>>, vector<16x8xf32>
    %convert_element_type3A_57 = arith.truncf %get3A_56 : vector<16x8xf32> to vector<16x8xbf16>
    %dot_general3A_58 = arith.constant dense<0.000000e+00> : vector<2048x8xf32>
    %dot_general3A_59 = tpu.matmul %convert_element_type3A_53, %convert_element_type3A_57, %dot_general3A_58 {dimension_numbers = #tpu.dot_dimension_numbers<[1], [0], [0], [1], [0, 0, 1, 1], [], []>, transpose_lhs_hint = false} : vector<2048x16xbf16>, vector<16x8xbf16>, vector<2048x8xf32> -> vector<2048x8xf32>
    %get3A_60 = arith.constant 0 : index
    %get3A_61 = arith.constant 0 : index
    %get3A_62 = vector.load %arg10[%get3A_60, %get3A_61] : memref<1x8xf32, #tpu.memory_space<vmem>>, vector<1x8xf32>
    %add3A_63 = vector.broadcast %get3A_62 : vector<1x8xf32> to vector<2048x8xf32>
    %add3A_64 = arith.addf %dot_general3A_59, %add3A_63 : vector<2048x8xf32>
    %max3A_65 = arith.constant 0.000000e+00 : f32
    %max3A_66 = vector.broadcast %max3A_65 : f32 to vector<2048x8xf32>
    %max3A_67 = arith.maximumf %add3A_64, %max3A_66 : vector<2048x8xf32>
    %slice3A_68 = vector.extract_strided_slice %get3A_1 {offsets = [0, 0], sizes = [2048, 32], strides = [1, 1]} : vector<2048x128xf32> to vector<2048x32xf32>
    %slice3A_69 = vector.extract_strided_slice %get3A_4 {offsets = [0, 64], sizes = [2048, 32], strides = [1, 1]} : vector<2048x128xf32> to vector<2048x32xf32>
    %mul3A = arith.mulf %slice3A_68, %slice3A_69 : vector<2048x32xf32>
    %get3A_70 = arith.constant 0 : index
    %get3A_71 = arith.constant 0 : index
    %get3A_72 = vector.load %arg11[%get3A_70, %get3A_71] : memref<1x40xf32, #tpu.memory_space<vmem>>, vector<1x32xf32>
    %mul3A_73 = vector.broadcast %get3A_72 : vector<1x32xf32> to vector<2048x32xf32>
    %mul3A_74 = arith.mulf %mul3A, %mul3A_73 : vector<2048x32xf32>
    %reduce_sum3A = arith.constant dense<0.000000e+00> : vector<2048xf32>
    %reduce_sum3A_75 = vector.multi_reduction <add>, %mul3A_74, %reduce_sum3A [1] : vector<2048x32xf32> to vector<2048xf32>
    %get3A_76 = arith.constant 0 : index
    %get3A_77 = arith.constant 32 : index
    %get3A_78 = vector.load %arg11[%get3A_76, %get3A_77] : memref<1x40xf32, #tpu.memory_space<vmem>>, vector<1x8xf32>
    %mul3A_79 = vector.broadcast %get3A_78 : vector<1x8xf32> to vector<2048x8xf32>
    %mul3A_80 = arith.mulf %max3A_67, %mul3A_79 : vector<2048x8xf32>
    %reduce_sum3A_81 = arith.constant dense<0.000000e+00> : vector<2048xf32>
    %reduce_sum3A_82 = vector.multi_reduction <add>, %mul3A_80, %reduce_sum3A_81 [1] : vector<2048x8xf32> to vector<2048xf32>
    %add3A_83 = arith.addf %reduce_sum3A_75, %reduce_sum3A_82 : vector<2048xf32>
    %get3A_84 = arith.constant 0 : index
    %get3A_85 = arith.constant 0 : index
    %get3A_86 = vector.load %arg12[%get3A_84, %get3A_85] : memref<1x1xf32, #tpu.memory_space<vmem>>, vector<1x1xf32>
    %get3A_87 = vector.extract %get3A_86[0, 0] : f32 from vector<1x1xf32>
    %add3A_88 = vector.broadcast %get3A_87 : f32 to vector<2048xf32>
    %add3A_89 = arith.addf %add3A_83, %add3A_88 : vector<2048xf32>
    %swap3A = arith.constant 0 : index
    %swap3A_90 = vector.load %arg13[%swap3A] : memref<2048xf32, #tpu.memory_space<vmem>>, vector<2048xf32>
    tpu.vector_store %arg13[%swap3A], %add3A_89 {strides = array<i32>} : memref<2048xf32, #tpu.memory_space<vmem>>, vector<2048xf32>,
    return
  }
  func.func @transform_0(%arg0: i32) -> (i32, i32) {
    %c0_i32 = arith.constant 0 : i32
    %c0_i32_0 = arith.constant 0 : i32
    return %arg0, %c0_i32 : i32, i32
  }
  func.func @transform_1(%arg0: i32) -> (i32, i32) {
    %c0_i32 = arith.constant 0 : i32
    %c0_i32_0 = arith.constant 0 : i32
    return %arg0, %c0_i32 : i32, i32
  }
  func.func @transform_2(%arg0: i32) -> (i32, i32) {
    %c0_i32 = arith.constant 0 : i32
    %c0_i32_0 = arith.constant 0 : i32
    %c0_i32_1 = arith.constant 0 : i32
    return %c0_i32, %c0_i32_0 : i32, i32
  }
  func.func @transform_3(%arg0: i32) -> (i32, i32) {
    %c0_i32 = arith.constant 0 : i32
    %c0_i32_0 = arith.constant 0 : i32
    %c0_i32_1 = arith.constant 0 : i32
    return %c0_i32, %c0_i32_0 : i32, i32
  }
  func.func @transform_4(%arg0: i32) -> (i32, i32) {
    %c0_i32 = arith.constant 0 : i32
    %c0_i32_0 = arith.constant 0 : i32
    %c0_i32_1 = arith.constant 0 : i32
    return %c0_i32, %c0_i32_0 : i32, i32
  }
  func.func @transform_5(%arg0: i32) -> (i32, i32) {
    %c0_i32 = arith.constant 0 : i32
    %c0_i32_0 = arith.constant 0 : i32
    %c0_i32_1 = arith.constant 0 : i32
    return %c0_i32, %c0_i32_0 : i32, i32
  }
  func.func @transform_6(%arg0: i32) -> (i32, i32) {
    %c0_i32 = arith.constant 0 : i32
    %c0_i32_0 = arith.constant 0 : i32
    %c0_i32_1 = arith.constant 0 : i32
    return %c0_i32, %c0_i32_0 : i32, i32
  }
  func.func @transform_7(%arg0: i32) -> (i32, i32) {
    %c0_i32 = arith.constant 0 : i32
    %c0_i32_0 = arith.constant 0 : i32
    %c0_i32_1 = arith.constant 0 : i32
    return %c0_i32, %c0_i32_0 : i32, i32
  }
  func.func @transform_8(%arg0: i32) -> (i32, i32) {
    %c0_i32 = arith.constant 0 : i32
    %c0_i32_0 = arith.constant 0 : i32
    %c0_i32_1 = arith.constant 0 : i32
    return %c0_i32, %c0_i32_0 : i32, i32
  }
  func.func @transform_9(%arg0: i32) -> (i32, i32) {
    %c0_i32 = arith.constant 0 : i32
    %c0_i32_0 = arith.constant 0 : i32
    %c0_i32_1 = arith.constant 0 : i32
    return %c0_i32, %c0_i32_0 : i32, i32
  }
  func.func @transform_10(%arg0: i32) -> (i32, i32) {
    %c0_i32 = arith.constant 0 : i32
    %c0_i32_0 = arith.constant 0 : i32
    %c0_i32_1 = arith.constant 0 : i32
    return %c0_i32, %c0_i32_0 : i32, i32
  }
  func.func @transform_11(%arg0: i32) -> (i32, i32) {
    %c0_i32 = arith.constant 0 : i32
    %c0_i32_0 = arith.constant 0 : i32
    %c0_i32_1 = arith.constant 0 : i32
    return %c0_i32, %c0_i32_0 : i32, i32
  }
  func.func @transform_12(%arg0: i32) -> i32 {
    %c0_i32 = arith.constant 0 : i32
    return %arg0 : i32
  }
}

</mosaic_0001>

<sc_bundles>
// kernel: kernel.5.cloned.1.call-start
scs
__scs_entry_jumppad:
0x0: {  	(pc) =	sbr.rel $0x88, $3  }
0x1: {  	(tag) =	ssettag $0x0;
	lr =	simm.s32 $0x1  }
0x2: {  	[smem:$0x3F91] =	sst lr;
	_ =	strace $0xD0000000  }
0x3: {  	_ = 	snop  }
0x4: {  	_ = 	snop  }
0x5: {  	_ = 	snop  }
0x6: {  	_ = 	snop  }
0x7: {  	_ = 	snop  }
__scs_overlays_trampoline_lowered:
0x8: {  	[smem:$0x3FA0] =	sst s0  }
0x9: {  	[smem:$0x3FA1] =	sst s1  }
0xa: {  	[smem:$0x3FA2] =	sst s2  }
0xb: {  	[smem:$0x3FA3] =	sst s3  }
0xc: {  	[smem:$0x3FA4] =	sst s4  }
0xd: {  	[smem:$0x3FA5] =	sst s5  }
0xe: {  	[smem:$0x3FA6] =	sst s6  }
0xf: {  	[smem:$0x3FA7] =	sst s7  }
0x10: {  	[smem:$0x3FA8] =	sst s8  }
0x11: {  	[smem:$0x3FA9] =	sst s9;
	s0 =	simm.s32 @!p0 $0x0  }
0x12: {  	s1 =	sld [smem:$0x3F8F];
	s0 =	simm.s32 @p0 $0x1  }
0x13: {  	[smem:$0x3FAA] =	sst s0;
	s0 =	simm.s32 @!p1 $0x0  }
0x14: {  	s2 =	sld [smem:$0x3F8E];
	s0 =	simm.s32 @p1 $0x1  }
0x15: {  	[smem:$0x3FAB] =	sst s0;
	s0 =	simm.s32 @!p2 $0x0  }
0x16: {  	s3 =	sld [smem:$0x3FDB];
	s0 =	simm.s32 @p2 $0x1  }
0x17: {  	s4 =	simm.s32 $0x1BF5;
	[smem:$0x3FAD] =	sst s0  }
0x18: {  	s0 =	sld [smem:$0x3F90];
	_ =	swait.ge [sflag:s4], $0x0  }
0x19: {  	s7 =	sld [smem:$0x3F91]  }
0x1a: {  	s8 =	sadd.s32 $0xFFFFE003, lr  }
0x1b: {  	s9 =	sadd.s32 $0xFFFFFEF7, lr;
	s5 =	simm.s32 $0xFFFFFFFF;
	p2 =	slt.u32 s8, $0xFFFFF086  }
0x1c: {  	p1 =	slt.u32 s9, $0xF7A;
	s5 =	simm.s32 @!p2 $0x0  }
0x1d: {  	s5 =	simm.s32 @p1 $0x1;
	p0 =	seq.s32 s7, s2  }
0x1e: {  	s7 =	smul.u32 @!p0 $0xF7A, s2;
	p2 =	seq.s32 @!p0 s5, $0x0  }
0x1f: {  	s9 =	smul.u32 $0xF7A, s1;
	s8 =	simm.s32 @!p0 $0x1BF5;
	p2 =	por !p2, p0  }
0x20: {  	[sflag:s8] =	ssyncset.s32 @!p0 $0xFFFFF086;
	s6 =	sadd.s32 @!p0 s3, s7;
	s7 =	simm.s32 @!p0 $0x108  }
0x21: {  	s3 =	sadd.s32 s3, s9;
	s6 =	sadd.s32 @!p0 $0x88, s6;
	s7 =	simm.s32 @p2 $0x1082  }
0x22: {  	[simem:s7], [sflag:s8] =	dma.local @!p0 [hbm:s6], $0xF7A  }
0x23: {  	s9 =	sor.u32 $0xD0000000, s2;
	s6 =	simm.s32 $0x108;
	_ =	swait.ge @!p0 [sflag:s8], $0x0  }
0x24: {  	s3 =	sadd.s32 $0x88, s3;
	s6 =	simm.s32 @!p1 $0x1082;
	[sflag:s4] =	ssyncset.s32 $0xFFFFF086  }
0x25: {  	[simem:s6], [sflag:s4] =	dma.local [hbm:s3], $0xF7A  }
0x26: {  	[smem:$0x3F91] =	sst s1;
	(tag) =	ssettag s2;
	_ =	strace s9  }
0x27: {  	s1 =	sld [smem:$0x3FA1]  }
0x28: {  	s2 =	sld [smem:$0x3FA2]  }
0x29: {  	s4 =	sld [smem:$0x3FA4]  }
0x2a: {  	p0 =	seq.s32 s5, $0x0;
	s5 =	sld [smem:$0x3FA5]  }
0x2b: {  	s6 =	sld [smem:$0x3FA6]  }
0x2c: {  	s7 =	sld [smem:$0x3FA7]  }
0x2d: {  	s3 =	simm.s32 $0x108;
	s8 =	sld [smem:$0x3FA8]  }
0x2e: {  	s3 =	simm.s32 @!p0 $0x1082;
	s9 =	sld [smem:$0x3FA9]  }
0x2f: {  	lr =	sadd.s32 s0, s3;
	s0 =	sld [smem:$0x3FA0]  }
0x30: {  	s3 =	sld [smem:$0x3FA3]  }
0x31: {  	[smem:$0x3FAC] =	sst s10  }
0x32: {  	s10 =	sld [smem:$0x3FAA];
	_ =	sdelay $0x3  }
0x33: {  	p0 =	seq.s32 s10, $0x1;
	s10 =	sld [smem:$0x3FAC];
	_ =	sdelay $0x3  }
0x34: {  	[smem:$0x3FAC] =	sst s10  }
0x35: {  	s10 =	sld [smem:$0x3FAB];
	_ =	sdelay $0x3  }
0x36: {  	p1 =	seq.s32 s10, $0x1;
	s10 =	sld [smem:$0x3FAC];
	_ =	sdelay $0x3  }
0x37: {  	[smem:$0x3FAC] =	sst s10  }
0x38: {  	s10 =	sld [smem:$0x3FAD]  }
0x39: {  	_ = 	snop;
	(pc) =	sbr.ind lr, $3  }
0x3a: {  	_ = 	snop  }
0x3b: {  	_ = 	snop  }
0x3c: {  	p2 =	seq.s32 s10, $0x1;
	s10 =	sld [smem:$0x3FAC]  }
0x3d: {  	_ =	shalt  }
0x3e: {  	_ =	shalt  }
0x3f: {  	_ =	shalt  }
0x40: {  	_ =	shalt  }
0x41: {  	_ =	shalt  }
0x42: {  	_ =	shalt  }
0x43: {  	_ =	shalt  }
0x44: {  	_ =	shalt  }
0x45: {  	_ =	shalt  }
0x46: {  	_ =	shalt  }
0x47: {  	_ =	shalt  }
0x48: {  	_ =	shalt  }
0x49: {  	_ =	shalt  }
0x4a: {  	_ =	shalt  }
0x4b: {  	_ =	shalt  }
0x4c: {  	_ =	shalt  }
0x4d: {  	_ =	shalt  }
0x4e: {  	_ =	shalt  }
0x4f: {  	_ =	shalt  }
0x50: {  	_ =	shalt  }
0x51: {  	_ =	shalt  }
0x52: {  	_ =	shalt  }
0x53: {  	_ =	shalt  }
0x54: {  	_ =	shalt  }
0x55: {  	_ =	shalt  }
0x56: {  	_ =	shalt  }
0x57: {  	_ =	shalt  }
0x58: {  	_ =	shalt  }
0x59: {  	_ =	shalt  }
0x5a: {  	_ =	shalt  }
0x5b: {  	_ =	shalt  }
0x5c: {  	_ =	shalt  }
0x5d: {  	_ =	shalt  }
0x5e: {  	_ =	shalt  }
0x5f: {  	_ =	shalt  }
0x60: {  	_ =	shalt  }
0x61: {  	_ =	shalt  }
0x62: {  	_ =	shalt  }
0x63: {  	_ =	shalt  }
0x64: {  	_ =	shalt  }
0x65: {  	_ =	shalt  }
0x66: {  	_ =	shalt  }
0x67: {  	_ =	shalt  }
0x68: {  	_ =	shalt  }
0x69: {  	_ =	shalt  }
0x6a: {  	_ =	shalt  }
0x6b: {  	_ =	shalt  }
0x6c: {  	_ =	shalt  }
0x6d: {  	_ =	shalt  }
0x6e: {  	_ =	shalt  }
0x6f: {  	_ =	shalt  }
0x70: {  	_ =	shalt  }
0x71: {  	_ =	shalt  }
0x72: {  	_ =	shalt  }
0x73: {  	_ =	shalt  }
0x74: {  	_ =	shalt  }
0x75: {  	_ =	shalt  }
0x76: {  	_ =	shalt  }
0x77: {  	_ =	shalt  }
0x78: {  	_ =	shalt  }
0x79: {  	_ =	shalt  }
0x7a: {  	_ =	shalt  }
0x7b: {  	_ =	shalt  }
0x7c: {  	_ =	shalt  }
0x7d: {  	_ =	shalt  }
0x7e: {  	_ =	shalt  }
0x7f: {  	_ =	shalt  }
0x80: {  	_ =	shalt  }
0x81: {  	_ =	shalt  }
0x82: {  	_ =	shalt  }
0x83: {  	_ =	shalt  }
0x84: {  	_ =	shalt  }
0x85: {  	_ =	shalt  }
0x86: {  	_ =	shalt  }
0x87: {  	_ =	shalt  }
.Lfunc_end0:
.L_simem_size_0:
called_computation_lowered:
.L_overlay_start_0:
0x88: {  	s2 =	sld [smem:$0x3FD9]  }
0x89: {  	s3 =	sld [smem:$0x3FFE];
	_ =	sdelay $0x1  }
0x8a: {  	s1 =	srdreg.scid  }
0x8b: {  	s0 =	sand.u32 $0x1, s1  }
0x8c: {  	s17 =	sshll.u32 s0, $0xA;
	s2 =	sadd.s32 s3, s2  }
0x8d: {  	s2 =	sadd.s32 s2, s17  }
0x8e: {  	[smem:$0x3FB8] =	sst s2  }
0x8f: {  	_ = 	snop  }
0x90: {  	s2 =	sld [smem:$0x3FC9]  }
0x91: {  	s18 =	sld [smem:$0x3FC8];
	(tm) =	ssettm $0x1  }
0x92: {  	s4 =	sld [smem:$0x3FFB];
	_ =	sdelay $0x3  }
0x93: {  	_ =	strace s4  }
0x94: {  	s4 =	sld [smem:$0x3FFC];
	_ =	sdelay $0x3  }
0x95: {  	_ =	strace s4  }
0x96: {  	s4 =	sld [smem:$0x3FFD];
	_ =	sdelay $0x3  }
0x97: {  	_ =	strace s4  }
0x98: {  	_ =	strace $0x8FFFFFFF  }
0x99: {  	s19 =	sld [smem:$0x3FDB];
	_ =	sdelay $0x1  }
0x9a: {  	s5 =	simm.s32 $_scs_section_size  }
0x9b: {  	s6 =	simm.s32 $_size__tile_overlayer_lowered;
	s7 =	simm.s32 $_tile_overlayer_lowered  }
0x9c: {  	s22 =	simm.s32 $0x1BFF;
	s21 =	sshll.u32 s7, $0x1;
	s4 =	sadd.s32 s5, s19  }
0x9d: {  	s8 =	simm.s32 $0x0;
	s20 =	sshll.u32 s6, $0x1;
	s6 =	sadd.s32 s21, s4  }
0x9e: {  	[timem:s8], [sflag:s22] =	dma.local [hbm:s6], s20  }
0x9f: {  	_ =	swait.ge [sflag:s22], s20  }
0xa0: {  	s5 =	ssub.s32 $0x0, s20;
	[sflag:s22] =	ssyncset.done $0x0  }
0xa1: {  	[sflag:s22] =	ssyncadd.s32 s5;
	_ =	sdelay $0x1  }
0xa2: {  	s23 =	simm.s32 $0x1B8B  }
0xa3: {  	_ =	swait.ge [sflag:s23], $0x1  }
0xa4: {  	[sflag:s23] =	ssyncset.done $0x0  }
0xa5: {  	s25 =	simm.s32 $0x1B8E;
	s24 =	sld [smem:$0x3FFE];
	[sflag:s23] =	ssyncadd.s32 $0xFFFFFFFF  }
0xa6: {  	s26 =	simm.s32 $execute0_lowered;
	[smem:$0x3FD2] =	sst s25  }
0xa7: {  	s6 =	sshll.u32 s26, $0x1;
	_ =	strace $0x80000046;
	[dreg:$0x1] =	wrdreg $0xFFFFFFFF  }
0xa8: {  	s28 =	simm.s32 $_size_execute0_lowered;
	s4 =	sadd.s32 s4, s6;
	[dreg:$0x0] =	wrdreg $0x0  }
0xa9: {  	s6 =	sshll.u32 s28, $0x1;
	[dreg:$0x2] =	wrdreg s4  }
0xaa: {  	[dreg:$0x3] =	wrdreg s6  }
0xab: {  	[dreg:$0x4] =	wrdreg $0xC0  }
0xac: {  	_ =	task [dreg:s8], $0x5FFFF  }
0xad: {  	[dreg:$0x1] =	wrdreg $0xFFFFFFFF  }
0xae: {  	[dreg:$0x0] =	wrdreg $0x60  }
0xaf: {  	[dreg:$0x2] =	wrdreg s2  }
0xb0: {  	[dreg:$0x3] =	wrdreg s18  }
0xb1: {  	[dreg:$0x4] =	wrdreg s24  }
0xb2: {  	[dreg:$0x5] =	wrdreg $0x9  }
0xb3: {  	_ =	task.clear_ibuf [dreg:s8], $0x6FFFF;
	_ =	strace $0x90000046  }
0xb4: {  	s29 =	simm.s32 $0x9;
	_ =	strace $0x80000048  }
0xb5: {  	_ =	swait.ge [sflag:s29], $0x1  }
0xb6: {  	[sflag:s29] =	ssyncadd.s32 $0xFFFFFFFF  }
0xb7: {  	_ =	strace $0x90000048  }
0xb8: {  	_ =	sfence  }
0xb9: {  	s30 =	sld [smem:$0x0];
	_ =	sdelay $0x2  }
0xba: {  	s31 =	sshll.u32 s1, $0xD;
	s1 =	sshrl.u32 s1, $0x2  }
0xbb: {  	s3 =	sand.u32 $0x4000, s31;
	s1 =	sadd.s32 s1, s30  }
0xbc: {  	s0 =	sor.u32 s3, s0;
	s1 =	sshll.u32 s1, $0x11  }
0xbd: {  	s0 =	sor.u32 s1, s0  }
0xbe: {  	s0 =	sadd.s32 $0x8F2B, s0  }
0xbf: {  	[sflag:s0] =	ssyncadd.remote.s32 $0x1  }
0xc0: {  	_ =	sfence.sel $0xFFFF  }
0xc1: {  	[dreg:$0x0] =	wrdreg $0xFFFFFFFF;
	(pc) =	sbr.abs _section_cstart, $3  }
0xc2: {  	[dreg:$0x1] =	wrdreg $0xFFFFFFFF  }
0xc3: {  	_ =	task.clear_ibuf [dreg:s8], $0x2FFFF;
	_ =	strace $0x9FFFFFFF  }
0xc4: {  	(tm) =	ssettm $0x7FFFFFFF  }
0xc5: {  	_ =	shalt  }
tec
execute0_lowered:
.L_overlay_start_1:
0x0: {  	(tag) =	ssettag $0x1  }
0x1: {  	s3 =	rddreg [dreg:$0x0];
	s1 =	srdreg.scid  }
0x2: {  	s5 =	rddreg [dreg:$0x1];
	s0 =	stileid.u32;
	s17 =	sand.u32 $0x1, s1  }
0x3: {  	s14 =	rddreg [dreg:$0x2];
	s4 =	sshll.u32 s0, $0xA;
	s6 =	sshll.u32 s17, $0x9  }
0x4: {  	s2 =	simm.s32 $0x0;
	s1 =	rddreg [dreg:$0x3];
	s12 =	sor.u32 s6, s4  }
0x5: {  	[smem:$0x7FF] =	sst s2;
	s6 =	sshrl.u32 s12, $0x3  }
0x6: {  	_ =	strace $0x80000047;
	s4 =	sadd.s32 s3, s6;
	s3 =	simm.s32 $0x3  }
0x7: {  	[tilespmem:s2], [sflag:$0x3] =	stream.linear.gather [hbm4b:s4+s2], $0x200, $0x38;
	[tilespmem:$0x10400] =	vst v63  }
0x8: {  	_ =	swait.ge [sflag:s3], $0x200  }
0x9: {  	[sflag:s3] =	ssyncset.done $0x0  }
0xa: {  	s5 =	sadd.s32 s5, s6;
	s6 =	simm.s32 $0x200;
	[sflag:s3] =	ssyncadd.s32 $0xFFFFFE00  }
0xb: {  	[tilespmem:s6], [sflag:$0x3] =	stream.linear.gather [hbm4b:s5+s2], $0x200, $0x38;
	[tilespmem:$0x10400] =	vst v63  }
0xc: {  	_ =	swait.ge [sflag:s3], $0x200  }
0xd: {  	s8 =	simm.s32 $0x100;
	[sflag:s3] =	ssyncset.done $0x0  }
0xe: {  	s9 =	simm.s32 $0x400;
	s7 =	sadd.s32 $0x2000, s14;
	[sflag:s3] =	ssyncadd.s32 $0xFFFFFE00  }
0xf: {  	[tilespmem:s9], [sflag:$0x1] =	stream.indirect.gather [hbm4b:s7+s8], $0x80, s2, s8, $0xb8;
	[tilespmem:$0x10400] =	vst v63  }
0x10: {  	s10 =	simm.s32 $0x8400;
	s11 =	simm.s32 $0x1  }
0x11: {  	[tilespmem:s10], [sflag:$0x2] =	stream.indirect.gather [hbm4b:s7+s8], $0x80, s6, s8, $0xb8;
	[tilespmem:$0x10400] =	vst v63  }
0x12: {  	_ =	swait.ge [sflag:s11], $0x8000  }
0x13: {  	s16 =	sadd.s32 $0x188A00, s14;
	s18 =	sshll.u32 s12, $0x4;
	[sflag:s11] =	ssyncset.done $0x0  }
0x14: {  	s12 =	sadd.s32 s16, s18;
	[sflag:s11] =	ssyncadd.s32 $0xFFFF8000  }
0x15: {  	[hbm4b:s12+s2] =	stream.linear.scatter [tilespmem:s9], [sflag:$0x3], $0x8000, $0x38;
	[tilespmem:$0x10400] =	vst v63  }
0x16: {  	_ =	swait.ge [sflag:s3], $0x8000  }
0x17: {  	[sflag:s3] =	ssyncset.done $0x0  }
0x18: {  	s13 =	simm.s32 $0x2;
	[sflag:s3] =	ssyncadd.s32 $0xFFFF8000  }
0x19: {  	[tilespmem:s9], [sflag:$0x1] =	stream.indirect.gather [hbm4b:s7+s8], $0x80, s8, s8, $0xb8;
	[tilespmem:$0x10400] =	vst v63  }
0x1a: {  	_ =	swait.ge [sflag:s13], $0x8000  }
0x1b: {  	s19 =	sadd.s32 $0x1C8A00, s14;
	[sflag:s13] =	ssyncset.done $0x0  }
0x1c: {  	s14 =	sadd.s32 s19, s18;
	[sflag:s13] =	ssyncadd.s32 $0xFFFF8000  }
0x1d: {  	[hbm4b:s14+s2] =	stream.linear.scatter [tilespmem:s10], [sflag:$0x3], $0x8000, $0x38;
	[tilespmem:$0x10400] =	vst v63  }
0x1e: {  	_ =	swait.ge [sflag:s3], $0x8000  }
0x1f: {  	[sflag:s3] =	ssyncset.done $0x0  }
0x20: {  	s15 =	simm.s32 $0x300;
	[sflag:s3] =	ssyncadd.s32 $0xFFFF8000  }
0x21: {  	[tilespmem:s10], [sflag:$0x2] =	stream.indirect.gather [hbm4b:s7+s8], $0x80, s15, s8, $0xb8;
	[tilespmem:$0x10400] =	vst v63  }
0x22: {  	_ =	swait.ge [sflag:s11], $0x8000  }
0x23: {  	s18 =	sor.u32 $0x1000, s18;
	[sflag:s11] =	ssyncset.done $0x0  }
0x24: {  	s17 =	ssub.s32 $0x2, s17;
	s16 =	sadd.s32 s16, s18;
	[sflag:s11] =	ssyncadd.s32 $0xFFFF8000  }
0x25: {  	[hbm4b:s16+s2] =	stream.linear.scatter [tilespmem:s9], [sflag:$0x3], $0x8000, $0x38;
	[tilespmem:$0x10400] =	vst v63  }
0x26: {  	s20 =	sshrl.u32 s17, $0x1;
	_ =	swait.ge [sflag:s3], $0x8000  }
0x27: {  	s20 =	ssub.s32 s17, s20;
	[sflag:s3] =	ssyncset.done $0x0  }
0x28: {  	s31 =	smax.u32 s20, $0x1;
	[sflag:s3] =	ssyncadd.s32 $0xFFFF8000  }
0x29: {  	p0 =	sne.s32 s31, $0x1;
	_ =	swait.ge [sflag:s13], $0x8000  }
.Ltmp0:
0x2a: {  	[sflag:s13] =	ssyncset.done $0x0;
	(pc) =	sbr.rel @!p0 .LBB2_2-.Ltmp0, $4  }
0x2b: {  	s17 =	sadd.s32 s19, s18;
	[sflag:s13] =	ssyncadd.s32 $0xFFFF8000  }
0x2c: {  	[hbm4b:s17+s2] =	stream.linear.scatter [tilespmem:s10], [sflag:$0x3], $0x8000, $0x38;
	[tilespmem:$0x10400] =	vst v63  }
0x2d: {  	_ =	swait.ge [sflag:s3], $0x8000  }
0x2e: {  	s18 =	sadd.s32 $0xFFFFFFFF, s31;
	[sflag:s3] =	ssyncset.done $0x0  }
.LBB2_1:
0x2f: {  	p0 =	sne.s32 s18, $0x1;
	s18 =	sadd.s32 $0xFFFFFFFF, s18;
	[sflag:s3] =	ssyncadd.s32 $0xFFFF8000  }
0x30: {  	[tilespmem:s2], [sflag:$0x3] =	stream.linear.gather [hbm4b:s4+s2], $0x200, $0x38;
	[tilespmem:$0x10400] =	vst v63  }
0x31: {  	_ =	swait.ge [sflag:s3], $0x200  }
0x32: {  	[sflag:s3] =	ssyncset.done $0x0  }
0x33: {  	[sflag:s3] =	ssyncadd.s32 $0xFFFFFE00  }
0x34: {  	[tilespmem:s6], [sflag:$0x3] =	stream.linear.gather [hbm4b:s5+s2], $0x200, $0x38;
	[tilespmem:$0x10400] =	vst v63  }
0x35: {  	_ =	swait.ge [sflag:s3], $0x200  }
0x36: {  	[sflag:s3] =	ssyncset.done $0x0  }
0x37: {  	[sflag:s3] =	ssyncadd.s32 $0xFFFFFE00  }
0x38: {  	[tilespmem:s9], [sflag:$0x1] =	stream.indirect.gather [hbm4b:s7+s8], $0x80, s2, s8, $0xb8;
	[tilespmem:$0x10400] =	vst v63  }
0x39: {  	_ = 	snop  }
0x3a: {  	[tilespmem:s10], [sflag:$0x2] =	stream.indirect.gather [hbm4b:s7+s8], $0x80, s6, s8, $0xb8;
	[tilespmem:$0x10400] =	vst v63  }
0x3b: {  	_ =	swait.ge [sflag:s11], $0x8000  }
0x3c: {  	[sflag:s11] =	ssyncset.done $0x0  }
0x3d: {  	[sflag:s11] =	ssyncadd.s32 $0xFFFF8000  }
0x3e: {  	[hbm4b:s12+s2] =	stream.linear.scatter [tilespmem:s9], [sflag:$0x3], $0x8000, $0x38;
	[tilespmem:$0x10400] =	vst v63  }
0x3f: {  	_ =	swait.ge [sflag:s3], $0x8000  }
0x40: {  	[sflag:s3] =	ssyncset.done $0x0  }
0x41: {  	[sflag:s3] =	ssyncadd.s32 $0xFFFF8000  }
0x42: {  	[tilespmem:s9], [sflag:$0x1] =	stream.indirect.gather [hbm4b:s7+s8], $0x80, s8, s8, $0xb8;
	[tilespmem:$0x10400] =	vst v63  }
0x43: {  	_ =	swait.ge [sflag:s13], $0x8000  }
0x44: {  	[sflag:s13] =	ssyncset.done $0x0  }
0x45: {  	[sflag:s13] =	ssyncadd.s32 $0xFFFF8000  }
0x46: {  	[hbm4b:s14+s2] =	stream.linear.scatter [tilespmem:s10], [sflag:$0x3], $0x8000, $0x38;
	[tilespmem:$0x10400] =	vst v63  }
0x47: {  	_ =	swait.ge [sflag:s3], $0x8000  }
0x48: {  	[sflag:s3] =	ssyncset.done $0x0  }
0x49: {  	[sflag:s3] =	ssyncadd.s32 $0xFFFF8000  }
0x4a: {  	[tilespmem:s10], [sflag:$0x2] =	stream.indirect.gather [hbm4b:s7+s8], $0x80, s15, s8, $0xb8;
	[tilespmem:$0x10400] =	vst v63  }
0x4b: {  	_ =	swait.ge [sflag:s11], $0x8000  }
0x4c: {  	[sflag:s11] =	ssyncset.done $0x0  }
0x4d: {  	[sflag:s11] =	ssyncadd.s32 $0xFFFF8000  }
0x4e: {  	[hbm4b:s16+s2] =	stream.linear.scatter [tilespmem:s9], [sflag:$0x3], $0x8000, $0x38;
	[tilespmem:$0x10400] =	vst v63  }
0x4f: {  	_ =	swait.ge [sflag:s3], $0x8000  }
0x50: {  	[sflag:s3] =	ssyncset.done $0x0  }
0x51: {  	[sflag:s3] =	ssyncadd.s32 $0xFFFF8000  }
0x52: {  	_ =	swait.ge [sflag:s13], $0x8000  }
.Ltmp1:
0x53: {  	[sflag:s13] =	ssyncset.done $0x0;
	(pc) =	sbr.rel @p0 .LBB2_1-.Ltmp1, $4  }
0x54: {  	[sflag:s13] =	ssyncadd.s32 $0xFFFF8000  }
0x55: {  	[hbm4b:s17+s2] =	stream.linear.scatter [tilespmem:s10], [sflag:$0x3], $0x8000, $0x38;
	[tilespmem:$0x10400] =	vst v63  }
0x56: {  	_ =	swait.ge [sflag:s3], $0x8000  }
0x57: {  	[sflag:s3] =	ssyncset.done $0x0  }
.LBB2_2:
0x58: {  	[sflag:s3] =	ssyncadd.s32 $0xFFFF8000  }
0x59: {  	_ =	sfence.sel $0x180000  }
0x5a: {  	[bflag:$0x0] =	sbarrier.arrive $0xFFFF  }
0x5b: {  	p0 =	sne.s32 s0, $0x0;
	_ =	strace $0x90000047  }
0x5c: {  	s0 =	sadd.s32 @!p0 $0x100000, s1;
	[bflag:$0x2] =	sbarrier.arrive $0xFFFF  }
0x5d: {  	[sflag:s0] =	ssyncadd.tile.s32 @!p0 $0x1;
	_ =	shalt  }
.Lfunc_end2:
_tile_overlayer_lowered:
.L_overlay_start_2:
0x5e: {  	(tag) =	ssettag $0x2  }
0x5f: {  	s0 =	rddreg [dreg:$0x0];
	s2 =	stileid.u32  }
0x60: {  	s1 =	rddreg [dreg:$0x1];
	p0 =	sne.s32 s2, $0x0  }
0x61: {  	s3 =	rddreg [dreg:$0x2];
	[bflag:$0x3] =	sbarrier.arrive $0xFFFF;
	s2 =	simm.s32 @!p0 $0x1C03  }
0x62: {  	[timem:s3], [sflag:s2] =	dma.local @!p0 [hbm:s0], s1  }
0x63: {  	s0 =	simm.s32 @!p0 $0x3  }
0x64: {  	_ =	swait.ge @!p0 [sflag:s0], s1  }
0x65: {  	s1 =	ssub.s32 @!p0 $0x0, s1;
	[sflag:s0] =	ssyncset.done @!p0 $0x0  }
0x66: {  	[sflag:s0] =	ssyncadd.s32 @!p0 s1  }
0x67: {  	[bflag:$0x3] =	sbarrier.arrive $0xFFFF  }
0x68: {  	_ =	shalt  }

</sc_bundles>
